<compile_context>
chip_gen: v7x
topology: tpu7x:2x2x1
jax: 0.10.2.dev20260603
libtpu: 0.0.44.dev20260713+nightly
codegen_flags: <defaults>
</compile_context>

<pallas_src>
import jax
import jax.numpy as jnp
from jax import lax
from jax.experimental import pallas as pl
from jax.experimental.pallas import tpu as pltpu
from jax.experimental.pallas import tpu_sc as plsc

_D = 128
_N_I = 4096
_N_J = 50
_B_TOTAL = _N_I * _N_J
_NW = 32
_C = _N_I // _NW
_NCHUNK = _N_J
_NBUF = 7


def _gather_body(idx_hbm, table_hbm, out_hbm, idx_v, bufs, gsem, ssem):
    cid = lax.axis_index("c")
    sid = lax.axis_index("s")
    wid = sid * 2 + cid
    c0 = wid * _C

    pltpu.sync_copy(idx_hbm.at[:, pl.ds(c0, _C)], idx_v)

    def gather(j, b):
        src = table_hbm.at[idx_v.at[j]]
        return pltpu.make_async_copy(src, bufs.at[b], gsem.at[b])

    def store(j, b):
        dst = out_hbm.at[pl.ds(j * _N_I + c0, _C)]
        return pltpu.make_async_copy(bufs.at[b], dst, ssem.at[b])

    for b in range(_NBUF - 1):
        gather(b, b).start()

    def body(j, carry):
        b = lax.rem(j, _NBUF)
        jn = j + _NBUF - 1
        bn = lax.rem(jn, _NBUF)

        @pl.when(jnp.logical_and(jn < _NCHUNK, jn >= _NBUF))
        def _():
            store(jn - _NBUF, bn).wait()

        @pl.when(jn < _NCHUNK)
        def _():
            gather(jn, bn).start()

        gather(j, b).wait()
        store(j, b).start()
        return carry

    lax.fori_loop(0, _NCHUNK, body, None)

    for b in range(_NBUF):
        j_last = ((_NCHUNK - 1 - b) // _NBUF) * _NBUF + b
        store(j_last, b).wait()


_mesh = plsc.VectorSubcoreMesh(core_axis_name="c", subcore_axis_name="s")


@jax.jit
def _embed_lookup(idx_jmajor, table):
    return pl.kernel(
        _gather_body,
        out_type=jax.ShapeDtypeStruct((_B_TOTAL, _D), jnp.float32),
        mesh=_mesh,
        scratch_types=[
            pltpu.VMEM((_NCHUNK, _C), jnp.int32),
            pltpu.VMEM((_NBUF, _C, _D), jnp.float32),
            pltpu.SemaphoreType.DMA((_NBUF,)),
            pltpu.SemaphoreType.DMA((_NBUF,)),
        ],
        compiler_params=pltpu.CompilerParams(use_tc_tiling_on_sc=True),
    )(idx_jmajor, table)


def kernel(inputs, embedding):
    idx_jmajor = inputs.T.astype(jnp.int32)
    out = _embed_lookup(idx_jmajor, embedding)
    return out.reshape(_N_J, _N_I, _D).transpose(1, 0, 2)

# --- scband reference (transcript-rebuilt; emitter-appended) ---
"""Pipeline reference for scband-embed-49057116455087 (READ-ONLY COPY).

The authoritative reference and input builder live on the scoring server;
editing this copy changes nothing except your own understanding.
"""

import jax, jax.numpy as jnp
import numpy as np

NUM_EMBEDDINGS = 100000
FEATURES = 128

def setup_inputs(seed: int = 0) -> dict:
    key = jax.random.key(seed)
    k_idx, k_emb = jax.random.split(key)
    inputs = jax.random.randint(k_idx, (4096, 50), 0, NUM_EMBEDDINGS, dtype=jnp.int64 if jax.config.jax_enable_x64 else jnp.int32)
    embedding = jax.random.normal(k_emb, (NUM_EMBEDDINGS, FEATURES), dtype=jnp.float32)
    return {"inputs": inputs, "embedding": embedding}

def reference(inputs, embedding):
    # Faithful translation of Embed.forward with one_hot=False:
    # output = self.embedding[inputs]
    output = jnp.take(embedding, inputs, axis=0)
    return output

if __name__ == "__main__":
    import jax
    _d = setup_inputs()
    print(jax.jit(kernel)(*tuple(_d.values())))

</pallas_src>

<mosaic_0001>
#map = affine_map<(d0, d1) -> (0, 0)>
module attributes {stable_mosaic.version = 14 : i64} {
  func.func @_gather_body(%arg0: i32, %arg1: i32, %arg2: memref<50x4096xi32, #tpu.memory_space<hbm>>, %arg3: memref<100000x128xf32, #tpu.memory_space<hbm>>, %arg4: memref<204800x128xf32, #tpu.memory_space<hbm>>, %arg5: memref<50x128xi32, #tpu.memory_space<vmem>>, %arg6: memref<7x128x128xf32, #tpu.memory_space<vmem>>, %arg7: memref<7x!tpu.dma_semaphore, #tpu.memory_space<semaphore_mem>>, %arg8: memref<7x!tpu.dma_semaphore, #tpu.memory_space<semaphore_mem>>) attributes {dimension_semantics = [#tpu.dimension_semantics<core_parallel>, #tpu.dimension_semantics<subcore_parallel>], iteration_bounds = array<i64: 2, 16>, scalar_prefetch = 0 : i64, scratch_operands = 4 : i64, tpu.core_type = #tpu.core_type<sc_vector_subcore>, window_params = [{transform_indices = #map}, {transform_indices = #map}, {transform_indices = #map}]} {
    %mul3A = arith.constant 2 : i32
    %mul3A_0 = arith.muli %arg1, %mul3A : i32
    %add3A = arith.addi %mul3A_0, %arg0 : i32
    %mul3A_1 = arith.constant 128 : i32
    %mul3A_2 = arith.muli %add3A, %mul3A_1 : i32
    "tpu.region"() ({
      %run_scoped3A = tpu.sem_alloc : memref<!tpu.dma_semaphore, #tpu.memory_space<semaphore_mem>>
      %dma_start3A_221 = arith.constant 0 : i32
      %dma_start3A_222 = tpu.memref_slice %arg2[%dma_start3A_221, %mul3A_2] : memref<50x4096xi32, #tpu.memory_space<hbm>> -> memref<50x128xi32, #tpu.memory_space<hbm>>
      %dma_start3A_223 = arith.constant 0 : i32
      %dma_start3A_224 = tpu.memref_slice %arg2[%dma_start3A_223, %mul3A_2] : memref<50x4096xi32, #tpu.memory_space<hbm>> -> memref<50x128xi32, #tpu.memory_space<hbm>>
      tpu.enqueue_dma source(%dma_start3A_224 : memref<50x128xi32, #tpu.memory_space<hbm>>) target(%arg5 : memref<50x128xi32, #tpu.memory_space<vmem>>) target_semaphore(%run_scoped3A : memref<!tpu.dma_semaphore, #tpu.memory_space<semaphore_mem>>)
      %dma_wait3A_225 = arith.constant 0 : i32
      %dma_wait3A_226 = tpu.memref_slice %arg2[%dma_wait3A_225, %mul3A_2] : memref<50x4096xi32, #tpu.memory_space<hbm>> -> memref<50x128xi32, #tpu.memory_space<hbm>>
      %dma_wait3A_227 = arith.constant 0 : i32
      %dma_wait3A_228 = tpu.memref_slice %arg2[%dma_wait3A_227, %mul3A_2] : memref<50x4096xi32, #tpu.memory_space<hbm>> -> memref<50x128xi32, #tpu.memory_space<hbm>>
      tpu.wait_dma2 semaphore(%run_scoped3A : memref<!tpu.dma_semaphore, #tpu.memory_space<semaphore_mem>>) src(%dma_wait3A_228 : memref<50x128xi32, #tpu.memory_space<hbm>>) dst(%arg5 : memref<50x128xi32, #tpu.memory_space<vmem>>)
      tpu.yield
    }) : () -> ()
    %dma_start3A = arith.constant 0 : i32
    %dma_start3A_3 = arith.constant 0 : i32
    %dma_start3A_4 = arith.constant 0 : i32
    %dma_start3A_5 = arith.constant 0 : i32
    %dma_start3A_6 = arith.constant 0 : i32
    %dma_start3A_7 = tpu.memref_slice %arg6[%dma_start3A_3, %dma_start3A_5, %dma_start3A_6] : memref<7x128x128xf32, #tpu.memory_space<vmem>> -> memref<1x128x128xf32, #tpu.memory_space<vmem>>
    %dma_start3A_8 = tpu.memref_squeeze %dma_start3A_7 : memref<1x128x128xf32, #tpu.memory_space<vmem>> -> memref<128x128xf32, #tpu.memory_space<vmem>>
    %dma_start3A_9 = arith.constant 0 : i32
    %dma_start3A_10 = tpu.memref_slice %arg5[%dma_start3A, %dma_start3A_9] : memref<50x128xi32, #tpu.memory_space<vmem>> -> memref<1x128xi32, #tpu.memory_space<vmem>>
    %dma_start3A_11 = tpu.memref_squeeze %dma_start3A_10 : memref<1x128xi32, #tpu.memory_space<vmem>> -> memref<128xi32, #tpu.memory_space<vmem>>
    %dma_start3A_12 = arith.constant 0 : i32
    %dma_start3A_13 = arith.constant 0 : i32
    %dma_start3A_14 = tpu.memref_slice %arg3[%dma_start3A_12, %dma_start3A_13] : memref<100000x128xf32, #tpu.memory_space<hbm>> -> memref<100000x128xf32, #tpu.memory_space<hbm>>
    %dma_start3A_15 = tpu.memref_slice %arg7[%dma_start3A_4] : memref<7x!tpu.dma_semaphore, #tpu.memory_space<semaphore_mem>> -> memref<1x!tpu.dma_semaphore, #tpu.memory_space<semaphore_mem>>
    %dma_start3A_16 = tpu.memref_squeeze %dma_start3A_15 : memref<1x!tpu.dma_semaphore, #tpu.memory_space<semaphore_mem>> -> memref<!tpu.dma_semaphore, #tpu.memory_space<semaphore_mem>>
    tpu.enqueue_indirect_dma source(%dma_start3A_14 : memref<100000x128xf32, #tpu.memory_space<hbm>>) target(%dma_start3A_8 : memref<128x128xf32, #tpu.memory_space<vmem>>) offsets(%dma_start3A_11 : memref<128xi32, #tpu.memory_space<vmem>>) semaphore(%dma_start3A_16 : memref<!tpu.dma_semaphore, #tpu.memory_space<semaphore_mem>>)
    %dma_start3A_17 = arith.constant 1 : i32
    %dma_start3A_18 = arith.constant 1 : i32
    %dma_start3A_19 = arith.constant 1 : i32
    %dma_start3A_20 = arith.constant 0 : i32
    %dma_start3A_21 = arith.constant 0 : i32
    %dma_start3A_22 = tpu.memref_slice %arg6[%dma_start3A_18, %dma_start3A_20, %dma_start3A_21] : memref<7x128x128xf32, #tpu.memory_space<vmem>> -> memref<1x128x128xf32, #tpu.memory_space<vmem>>
    %dma_start3A_23 = tpu.memref_squeeze %dma_start3A_22 : memref<1x128x128xf32, #tpu.memory_space<vmem>> -> memref<128x128xf32, #tpu.memory_space<vmem>>
    %dma_start3A_24 = arith.constant 0 : i32
    %dma_start3A_25 = tpu.memref_slice %arg5[%dma_start3A_17, %dma_start3A_24] : memref<50x128xi32, #tpu.memory_space<vmem>> -> memref<1x128xi32, #tpu.memory_space<vmem>>
    %dma_start3A_26 = tpu.memref_squeeze %dma_start3A_25 : memref<1x128xi32, #tpu.memory_space<vmem>> -> memref<128xi32, #tpu.memory_space<vmem>>
    %dma_start3A_27 = arith.constant 0 : i32
    %dma_start3A_28 = arith.constant 0 : i32
    %dma_start3A_29 = tpu.memref_slice %arg3[%dma_start3A_27, %dma_start3A_28] : memref<100000x128xf32, #tpu.memory_space<hbm>> -> memref<100000x128xf32, #tpu.memory_space<hbm>>
    %dma_start3A_30 = tpu.memref_slice %arg7[%dma_start3A_19] : memref<7x!tpu.dma_semaphore, #tpu.memory_space<semaphore_mem>> -> memref<1x!tpu.dma_semaphore, #tpu.memory_space<semaphore_mem>>
    %dma_start3A_31 = tpu.memref_squeeze %dma_start3A_30 : memref<1x!tpu.dma_semaphore, #tpu.memory_space<semaphore_mem>> -> memref<!tpu.dma_semaphore, #tpu.memory_space<semaphore_mem>>
    tpu.enqueue_indirect_dma source(%dma_start3A_29 : memref<100000x128xf32, #tpu.memory_space<hbm>>) target(%dma_start3A_23 : memref<128x128xf32, #tpu.memory_space<vmem>>) offsets(%dma_start3A_26 : memref<128xi32, #tpu.memory_space<vmem>>) semaphore(%dma_start3A_31 : memref<!tpu.dma_semaphore, #tpu.memory_space<semaphore_mem>>)
    %dma_start3A_32 = arith.constant 2 : i32
    %dma_start3A_33 = arith.constant 2 : i32
    %dma_start3A_34 = arith.constant 2 : i32
    %dma_start3A_35 = arith.constant 0 : i32
    %dma_start3A_36 = arith.constant 0 : i32
    %dma_start3A_37 = tpu.memref_slice %arg6[%dma_start3A_33, %dma_start3A_35, %dma_start3A_36] : memref<7x128x128xf32, #tpu.memory_space<vmem>> -> memref<1x128x128xf32, #tpu.memory_space<vmem>>
    %dma_start3A_38 = tpu.memref_squeeze %dma_start3A_37 : memref<1x128x128xf32, #tpu.memory_space<vmem>> -> memref<128x128xf32, #tpu.memory_space<vmem>>
    %dma_start3A_39 = arith.constant 0 : i32
    %dma_start3A_40 = tpu.memref_slice %arg5[%dma_start3A_32, %dma_start3A_39] : memref<50x128xi32, #tpu.memory_space<vmem>> -> memref<1x128xi32, #tpu.memory_space<vmem>>
    %dma_start3A_41 = tpu.memref_squeeze %dma_start3A_40 : memref<1x128xi32, #tpu.memory_space<vmem>> -> memref<128xi32, #tpu.memory_space<vmem>>
    %dma_start3A_42 = arith.constant 0 : i32
    %dma_start3A_43 = arith.constant 0 : i32
    %dma_start3A_44 = tpu.memref_slice %arg3[%dma_start3A_42, %dma_start3A_43] : memref<100000x128xf32, #tpu.memory_space<hbm>> -> memref<100000x128xf32, #tpu.memory_space<hbm>>
    %dma_start3A_45 = tpu.memref_slice %arg7[%dma_start3A_34] : memref<7x!tpu.dma_semaphore, #tpu.memory_space<semaphore_mem>> -> memref<1x!tpu.dma_semaphore, #tpu.memory_space<semaphore_mem>>
    %dma_start3A_46 = tpu.memref_squeeze %dma_start3A_45 : memref<1x!tpu.dma_semaphore, #tpu.memory_space<semaphore_mem>> -> memref<!tpu.dma_semaphore, #tpu.memory_space<semaphore_mem>>
    tpu.enqueue_indirect_dma source(%dma_start3A_44 : memref<100000x128xf32, #tpu.memory_space<hbm>>) target(%dma_start3A_38 : memref<128x128xf32, #tpu.memory_space<vmem>>) offsets(%dma_start3A_41 : memref<128xi32, #tpu.memory_space<vmem>>) semaphore(%dma_start3A_46 : memref<!tpu.dma_semaphore, #tpu.memory_space<semaphore_mem>>)
    %dma_start3A_47 = arith.constant 3 : i32
    %dma_start3A_48 = arith.constant 3 : i32
    %dma_start3A_49 = arith.constant 3 : i32
    %dma_start3A_50 = arith.constant 0 : i32
    %dma_start3A_51 = arith.constant 0 : i32
    %dma_start3A_52 = tpu.memref_slice %arg6[%dma_start3A_48, %dma_start3A_50, %dma_start3A_51] : memref<7x128x128xf32, #tpu.memory_space<vmem>> -> memref<1x128x128xf32, #tpu.memory_space<vmem>>
    %dma_start3A_53 = tpu.memref_squeeze %dma_start3A_52 : memref<1x128x128xf32, #tpu.memory_space<vmem>> -> memref<128x128xf32, #tpu.memory_space<vmem>>
    %dma_start3A_54 = arith.constant 0 : i32
    %dma_start3A_55 = tpu.memref_slice %arg5[%dma_start3A_47, %dma_start3A_54] : memref<50x128xi32, #tpu.memory_space<vmem>> -> memref<1x128xi32, #tpu.memory_space<vmem>>
    %dma_start3A_56 = tpu.memref_squeeze %dma_start3A_55 : memref<1x128xi32, #tpu.memory_space<vmem>> -> memref<128xi32, #tpu.memory_space<vmem>>
    %dma_start3A_57 = arith.constant 0 : i32
    %dma_start3A_58 = arith.constant 0 : i32
    %dma_start3A_59 = tpu.memref_slice %arg3[%dma_start3A_57, %dma_start3A_58] : memref<100000x128xf32, #tpu.memory_space<hbm>> -> memref<100000x128xf32, #tpu.memory_space<hbm>>
    %dma_start3A_60 = tpu.memref_slice %arg7[%dma_start3A_49] : memref<7x!tpu.dma_semaphore, #tpu.memory_space<semaphore_mem>> -> memref<1x!tpu.dma_semaphore, #tpu.memory_space<semaphore_mem>>
    %dma_start3A_61 = tpu.memref_squeeze %dma_start3A_60 : memref<1x!tpu.dma_semaphore, #tpu.memory_space<semaphore_mem>> -> memref<!tpu.dma_semaphore, #tpu.memory_space<semaphore_mem>>
    tpu.enqueue_indirect_dma source(%dma_start3A_59 : memref<100000x128xf32, #tpu.memory_space<hbm>>) target(%dma_start3A_53 : memref<128x128xf32, #tpu.memory_space<vmem>>) offsets(%dma_start3A_56 : memref<128xi32, #tpu.memory_space<vmem>>) semaphore(%dma_start3A_61 : memref<!tpu.dma_semaphore, #tpu.memory_space<semaphore_mem>>)
    %dma_start3A_62 = arith.constant 4 : i32
    %dma_start3A_63 = arith.constant 4 : i32
    %dma_start3A_64 = arith.constant 4 : i32
    %dma_start3A_65 = arith.constant 0 : i32
    %dma_start3A_66 = arith.constant 0 : i32
    %dma_start3A_67 = tpu.memref_slice %arg6[%dma_start3A_63, %dma_start3A_65, %dma_start3A_66] : memref<7x128x128xf32, #tpu.memory_space<vmem>> -> memref<1x128x128xf32, #tpu.memory_space<vmem>>
    %dma_start3A_68 = tpu.memref_squeeze %dma_start3A_67 : memref<1x128x128xf32, #tpu.memory_space<vmem>> -> memref<128x128xf32, #tpu.memory_space<vmem>>
    %dma_start3A_69 = arith.constant 0 : i32
    %dma_start3A_70 = tpu.memref_slice %arg5[%dma_start3A_62, %dma_start3A_69] : memref<50x128xi32, #tpu.memory_space<vmem>> -> memref<1x128xi32, #tpu.memory_space<vmem>>
    %dma_start3A_71 = tpu.memref_squeeze %dma_start3A_70 : memref<1x128xi32, #tpu.memory_space<vmem>> -> memref<128xi32, #tpu.memory_space<vmem>>
    %dma_start3A_72 = arith.constant 0 : i32
    %dma_start3A_73 = arith.constant 0 : i32
    %dma_start3A_74 = tpu.memref_slice %arg3[%dma_start3A_72, %dma_start3A_73] : memref<100000x128xf32, #tpu.memory_space<hbm>> -> memref<100000x128xf32, #tpu.memory_space<hbm>>
    %dma_start3A_75 = tpu.memref_slice %arg7[%dma_start3A_64] : memref<7x!tpu.dma_semaphore, #tpu.memory_space<semaphore_mem>> -> memref<1x!tpu.dma_semaphore, #tpu.memory_space<semaphore_mem>>
    %dma_start3A_76 = tpu.memref_squeeze %dma_start3A_75 : memref<1x!tpu.dma_semaphore, #tpu.memory_space<semaphore_mem>> -> memref<!tpu.dma_semaphore, #tpu.memory_space<semaphore_mem>>
    tpu.enqueue_indirect_dma source(%dma_start3A_74 : memref<100000x128xf32, #tpu.memory_space<hbm>>) target(%dma_start3A_68 : memref<128x128xf32, #tpu.memory_space<vmem>>) offsets(%dma_start3A_71 : memref<128xi32, #tpu.memory_space<vmem>>) semaphore(%dma_start3A_76 : memref<!tpu.dma_semaphore, #tpu.memory_space<semaphore_mem>>)
    %dma_start3A_77 = arith.constant 5 : i32
    %dma_start3A_78 = arith.constant 5 : i32
    %dma_start3A_79 = arith.constant 5 : i32
    %dma_start3A_80 = arith.constant 0 : i32
    %dma_start3A_81 = arith.constant 0 : i32
    %dma_start3A_82 = tpu.memref_slice %arg6[%dma_start3A_78, %dma_start3A_80, %dma_start3A_81] : memref<7x128x128xf32, #tpu.memory_space<vmem>> -> memref<1x128x128xf32, #tpu.memory_space<vmem>>
    %dma_start3A_83 = tpu.memref_squeeze %dma_start3A_82 : memref<1x128x128xf32, #tpu.memory_space<vmem>> -> memref<128x128xf32, #tpu.memory_space<vmem>>
    %dma_start3A_84 = arith.constant 0 : i32
    %dma_start3A_85 = tpu.memref_slice %arg5[%dma_start3A_77, %dma_start3A_84] : memref<50x128xi32, #tpu.memory_space<vmem>> -> memref<1x128xi32, #tpu.memory_space<vmem>>
    %dma_start3A_86 = tpu.memref_squeeze %dma_start3A_85 : memref<1x128xi32, #tpu.memory_space<vmem>> -> memref<128xi32, #tpu.memory_space<vmem>>
    %dma_start3A_87 = arith.constant 0 : i32
    %dma_start3A_88 = arith.constant 0 : i32
    %dma_start3A_89 = tpu.memref_slice %arg3[%dma_start3A_87, %dma_start3A_88] : memref<100000x128xf32, #tpu.memory_space<hbm>> -> memref<100000x128xf32, #tpu.memory_space<hbm>>
    %dma_start3A_90 = tpu.memref_slice %arg7[%dma_start3A_79] : memref<7x!tpu.dma_semaphore, #tpu.memory_space<semaphore_mem>> -> memref<1x!tpu.dma_semaphore, #tpu.memory_space<semaphore_mem>>
    %dma_start3A_91 = tpu.memref_squeeze %dma_start3A_90 : memref<1x!tpu.dma_semaphore, #tpu.memory_space<semaphore_mem>> -> memref<!tpu.dma_semaphore, #tpu.memory_space<semaphore_mem>>
    tpu.enqueue_indirect_dma source(%dma_start3A_89 : memref<100000x128xf32, #tpu.memory_space<hbm>>) target(%dma_start3A_83 : memref<128x128xf32, #tpu.memory_space<vmem>>) offsets(%dma_start3A_86 : memref<128xi32, #tpu.memory_space<vmem>>) semaphore(%dma_start3A_91 : memref<!tpu.dma_semaphore, #tpu.memory_space<semaphore_mem>>)
    %scan3A = arith.constant 0 : i32
    %scan3A_92 = arith.constant 50 : i32
    %scan3A_93 = arith.addi %scan3A, %scan3A_92 : i32
    %scan3A_94 = arith.constant 1 : i32
    scf.for %scan3A_221 = %scan3A to %scan3A_93 step %scan3A_94  : i32 {
      %rem3A = arith.constant 7 : i32
      %rem3A_222 = arith.remsi %scan3A_221, %rem3A : i32
      %add3A_223 = arith.constant 7 : i32
      %add3A_224 = arith.addi %scan3A_221, %add3A_223 : i32
      %sub3A = arith.constant 1 : i32
      %sub3A_225 = arith.subi %add3A_224, %sub3A : i32
      %rem3A_226 = arith.constant 7 : i32
      %rem3A_227 = arith.remsi %sub3A_225, %rem3A_226 : i32
      %lt3A = arith.constant 50 : i32
      %lt3A_228 = arith.cmpi slt, %sub3A_225, %lt3A : i32
      %ge3A = arith.constant 7 : i32
      %ge3A_229 = arith.cmpi sge, %sub3A_225, %ge3A : i32
      %and3A = arith.andi %lt3A_228, %ge3A_229 : i1
      %convert_element_type3A = arith.extui %and3A : i1 to i32
      %cond3A = arith.constant 0 : i32
      %cond3A_230 = arith.cmpi ne, %convert_element_type3A, %cond3A : i32
      scf.if %cond3A_230 {
        %sub3A_265 = arith.constant 7 : i32
        %sub3A_266 = arith.subi %sub3A_225, %sub3A_265 : i32
        %mul3A_267 = arith.constant 4096 : i32
        %mul3A_268 = arith.muli %sub3A_266, %mul3A_267 : i32
        %add3A_269 = arith.addi %mul3A_268, %mul3A_2 : i32
        %dma_wait3A_270 = arith.constant 0 : i32
        %dma_wait3A_271 = arith.constant 0 : i32
        %dma_wait3A_272 = tpu.memref_slice %arg6[%rem3A_227, %dma_wait3A_270, %dma_wait3A_271] : memref<7x128x128xf32, #tpu.memory_space<vmem>> -> memref<1x128x128xf32, #tpu.memory_space<vmem>>
        %dma_wait3A_273 = tpu.memref_squeeze %dma_wait3A_272 : memref<1x128x128xf32, #tpu.memory_space<vmem>> -> memref<128x128xf32, #tpu.memory_space<vmem>>
        %dma_wait3A_274 = arith.constant 0 : i32
        %dma_wait3A_275 = tpu.memref_slice %arg4[%add3A_269, %dma_wait3A_274] : memref<204800x128xf32, #tpu.memory_space<hbm>> -> memref<128x128xf32, #tpu.memory_space<hbm>>
        %dma_wait3A_276 = tpu.memref_slice %arg8[%rem3A_227] : memref<7x!tpu.dma_semaphore, #tpu.memory_space<semaphore_mem>> -> memref<1x!tpu.dma_semaphore, #tpu.memory_space<semaphore_mem>>
        %dma_wait3A_277 = tpu.memref_squeeze %dma_wait3A_276 : memref<1x!tpu.dma_semaphore, #tpu.memory_space<semaphore_mem>> -> memref<!tpu.dma_semaphore, #tpu.memory_space<semaphore_mem>>
        %dma_wait3A_278 = arith.constant 0 : i32
        %dma_wait3A_279 = tpu.memref_slice %arg4[%add3A_269, %dma_wait3A_278] : memref<204800x128xf32, #tpu.memory_space<hbm>> -> memref<128x128xf32, #tpu.memory_space<hbm>>
        %dma_wait3A_280 = arith.constant 0 : i32
        %dma_wait3A_281 = arith.constant 0 : i32
        %dma_wait3A_282 = tpu.memref_slice %arg6[%rem3A_227, %dma_wait3A_280, %dma_wait3A_281] : memref<7x128x128xf32, #tpu.memory_space<vmem>> -> memref<1x128x128xf32, #tpu.memory_space<vmem>>
        %dma_wait3A_283 = tpu.memref_squeeze %dma_wait3A_282 : memref<1x128x128xf32, #tpu.memory_space<vmem>> -> memref<128x128xf32, #tpu.memory_space<vmem>>
        tpu.wait_dma2 semaphore(%dma_wait3A_277 : memref<!tpu.dma_semaphore, #tpu.memory_space<semaphore_mem>>) src(%dma_wait3A_283 : memref<128x128xf32, #tpu.memory_space<vmem>>) dst(%dma_wait3A_279 : memref<128x128xf32, #tpu.memory_space<hbm>>)
      } else {
      }
      %lt3A_231 = arith.constant 50 : i32
      %lt3A_232 = arith.cmpi slt, %sub3A_225, %lt3A_231 : i32
      %convert_element_type3A_233 = arith.extui %lt3A_232 : i1 to i32
      %cond3A_234 = arith.constant 0 : i32
      %cond3A_235 = arith.cmpi ne, %convert_element_type3A_233, %cond3A_234 : i32
      scf.if %cond3A_235 {
        %dma_start3A_265 = arith.constant 0 : i32
        %dma_start3A_266 = arith.constant 0 : i32
        %dma_start3A_267 = tpu.memref_slice %arg6[%rem3A_227, %dma_start3A_265, %dma_start3A_266] : memref<7x128x128xf32, #tpu.memory_space<vmem>> -> memref<1x128x128xf32, #tpu.memory_space<vmem>>
        %dma_start3A_268 = tpu.memref_squeeze %dma_start3A_267 : memref<1x128x128xf32, #tpu.memory_space<vmem>> -> memref<128x128xf32, #tpu.memory_space<vmem>>
        %dma_start3A_269 = arith.constant 0 : i32
        %dma_start3A_270 = tpu.memref_slice %arg5[%sub3A_225, %dma_start3A_269] : memref<50x128xi32, #tpu.memory_space<vmem>> -> memref<1x128xi32, #tpu.memory_space<vmem>>
        %dma_start3A_271 = tpu.memref_squeeze %dma_start3A_270 : memref<1x128xi32, #tpu.memory_space<vmem>> -> memref<128xi32, #tpu.memory_space<vmem>>
        %dma_start3A_272 = arith.constant 0 : i32
        %dma_start3A_273 = arith.constant 0 : i32
        %dma_start3A_274 = tpu.memref_slice %arg3[%dma_start3A_272, %dma_start3A_273] : memref<100000x128xf32, #tpu.memory_space<hbm>> -> memref<100000x128xf32, #tpu.memory_space<hbm>>
        %dma_start3A_275 = tpu.memref_slice %arg7[%rem3A_227] : memref<7x!tpu.dma_semaphore, #tpu.memory_space<semaphore_mem>> -> memref<1x!tpu.dma_semaphore, #tpu.memory_space<semaphore_mem>>
        %dma_start3A_276 = tpu.memref_squeeze %dma_start3A_275 : memref<1x!tpu.dma_semaphore, #tpu.memory_space<semaphore_mem>> -> memref<!tpu.dma_semaphore, #tpu.memory_space<semaphore_mem>>
        tpu.enqueue_indirect_dma source(%dma_start3A_274 : memref<100000x128xf32, #tpu.memory_space<hbm>>) target(%dma_start3A_268 : memref<128x128xf32, #tpu.memory_space<vmem>>) offsets(%dma_start3A_271 : memref<128xi32, #tpu.memory_space<vmem>>) semaphore(%dma_start3A_276 : memref<!tpu.dma_semaphore, #tpu.memory_space<semaphore_mem>>)
      } else {
      }
      %dma_wait3A_236 = arith.constant 0 : i32
      %dma_wait3A_237 = arith.constant 0 : i32
      %dma_wait3A_238 = tpu.memref_slice %arg6[%rem3A_222, %dma_wait3A_236, %dma_wait3A_237] : memref<7x128x128xf32, #tpu.memory_space<vmem>> -> memref<1x128x128xf32, #tpu.memory_space<vmem>>
      %dma_wait3A_239 = tpu.memref_squeeze %dma_wait3A_238 : memref<1x128x128xf32, #tpu.memory_space<vmem>> -> memref<128x128xf32, #tpu.memory_space<vmem>>
      %dma_wait3A_240 = arith.constant 0 : i32
      %dma_wait3A_241 = tpu.memref_slice %arg5[%scan3A_221, %dma_wait3A_240] : memref<50x128xi32, #tpu.memory_space<vmem>> -> memref<1x128xi32, #tpu.memory_space<vmem>>
      %dma_wait3A_242 = tpu.memref_squeeze %dma_wait3A_241 : memref<1x128xi32, #tpu.memory_space<vmem>> -> memref<128xi32, #tpu.memory_space<vmem>>
      %dma_wait3A_243 = arith.constant 0 : i32
      %dma_wait3A_244 = arith.constant 0 : i32
      %dma_wait3A_245 = tpu.memref_slice %arg3[%dma_wait3A_243, %dma_wait3A_244] : memref<100000x128xf32, #tpu.memory_space<hbm>> -> memref<100000x128xf32, #tpu.memory_space<hbm>>
      %dma_wait3A_246 = tpu.memref_slice %arg7[%rem3A_222] : memref<7x!tpu.dma_semaphore, #tpu.memory_space<semaphore_mem>> -> memref<1x!tpu.dma_semaphore, #tpu.memory_space<semaphore_mem>>
      %dma_wait3A_247 = tpu.memref_squeeze %dma_wait3A_246 : memref<1x!tpu.dma_semaphore, #tpu.memory_space<semaphore_mem>> -> memref<!tpu.dma_semaphore, #tpu.memory_space<semaphore_mem>>
      tpu.wait_indirect_dma semaphore(%dma_wait3A_247 : memref<!tpu.dma_semaphore, #tpu.memory_space<semaphore_mem>>) src(%dma_wait3A_245 : memref<100000x128xf32, #tpu.memory_space<hbm>>) dst(%dma_wait3A_239 : memref<128x128xf32, #tpu.memory_space<vmem>>)
      %mul3A_248 = arith.constant 4096 : i32
      %mul3A_249 = arith.muli %scan3A_221, %mul3A_248 : i32
      %add3A_250 = arith.addi %mul3A_249, %mul3A_2 : i32
      %dma_start3A_251 = arith.constant 0 : i32
      %dma_start3A_252 = arith.constant 0 : i32
      %dma_start3A_253 = tpu.memref_slice %arg6[%rem3A_222, %dma_start3A_251, %dma_start3A_252] : memref<7x128x128xf32, #tpu.memory_space<vmem>> -> memref<1x128x128xf32, #tpu.memory_space<vmem>>
      %dma_start3A_254 = tpu.memref_squeeze %dma_start3A_253 : memref<1x128x128xf32, #tpu.memory_space<vmem>> -> memref<128x128xf32, #tpu.memory_space<vmem>>
      %dma_start3A_255 = arith.constant 0 : i32
      %dma_start3A_256 = tpu.memref_slice %arg4[%add3A_250, %dma_start3A_255] : memref<204800x128xf32, #tpu.memory_space<hbm>> -> memref<128x128xf32, #tpu.memory_space<hbm>>
      %dma_start3A_257 = tpu.memref_slice %arg8[%rem3A_222] : memref<7x!tpu.dma_semaphore, #tpu.memory_space<semaphore_mem>> -> memref<1x!tpu.dma_semaphore, #tpu.memory_space<semaphore_mem>>
      %dma_start3A_258 = tpu.memref_squeeze %dma_start3A_257 : memref<1x!tpu.dma_semaphore, #tpu.memory_space<semaphore_mem>> -> memref<!tpu.dma_semaphore, #tpu.memory_space<semaphore_mem>>
      %dma_start3A_259 = arith.constant 0 : i32
      %dma_start3A_260 = tpu.memref_slice %arg4[%add3A_250, %dma_start3A_259] : memref<204800x128xf32, #tpu.memory_space<hbm>> -> memref<128x128xf32, #tpu.memory_space<hbm>>
      %dma_start3A_261 = arith.constant 0 : i32
      %dma_start3A_262 = arith.constant 0 : i32
      %dma_start3A_263 = tpu.memref_slice %arg6[%rem3A_222, %dma_start3A_261, %dma_start3A_262] : memref<7x128x128xf32, #tpu.memory_space<vmem>> -> memref<1x128x128xf32, #tpu.memory_space<vmem>>
      %dma_start3A_264 = tpu.memref_squeeze %dma_start3A_263 : memref<1x128x128xf32, #tpu.memory_space<vmem>> -> memref<128x128xf32, #tpu.memory_space<vmem>>
      tpu.enqueue_dma source(%dma_start3A_264 : memref<128x128xf32, #tpu.memory_space<vmem>>) target(%dma_start3A_260 : memref<128x128xf32, #tpu.memory_space<hbm>>) target_semaphore(%dma_start3A_258 : memref<!tpu.dma_semaphore, #tpu.memory_space<semaphore_mem>>)
    }
    %scan3A_95 = arith.constant 50 : i32
    %add3A_96 = arith.constant 200704 : i32
    %add3A_97 = arith.addi %add3A_96, %mul3A_2 : i32
    %dma_wait3A = arith.constant 0 : i32
    %dma_wait3A_98 = arith.constant 0 : i32
    %dma_wait3A_99 = arith.constant 0 : i32
    %dma_wait3A_100 = arith.constant 0 : i32
    %dma_wait3A_101 = tpu.memref_slice %arg6[%dma_wait3A, %dma_wait3A_99, %dma_wait3A_100] : memref<7x128x128xf32, #tpu.memory_space<vmem>> -> memref<1x128x128xf32, #tpu.memory_space<vmem>>
    %dma_wait3A_102 = tpu.memref_squeeze %dma_wait3A_101 : memref<1x128x128xf32, #tpu.memory_space<vmem>> -> memref<128x128xf32, #tpu.memory_space<vmem>>
    %dma_wait3A_103 = arith.constant 0 : i32
    %dma_wait3A_104 = tpu.memref_slice %arg4[%add3A_97, %dma_wait3A_103] : memref<204800x128xf32, #tpu.memory_space<hbm>> -> memref<128x128xf32, #tpu.memory_space<hbm>>
    %dma_wait3A_105 = tpu.memref_slice %arg8[%dma_wait3A_98] : memref<7x!tpu.dma_semaphore, #tpu.memory_space<semaphore_mem>> -> memref<1x!tpu.dma_semaphore, #tpu.memory_space<semaphore_mem>>
    %dma_wait3A_106 = tpu.memref_squeeze %dma_wait3A_105 : memref<1x!tpu.dma_semaphore, #tpu.memory_space<semaphore_mem>> -> memref<!tpu.dma_semaphore, #tpu.memory_space<semaphore_mem>>
    %dma_wait3A_107 = arith.constant 0 : i32
    %dma_wait3A_108 = tpu.memref_slice %arg4[%add3A_97, %dma_wait3A_107] : memref<204800x128xf32, #tpu.memory_space<hbm>> -> memref<128x128xf32, #tpu.memory_space<hbm>>
    %dma_wait3A_109 = arith.constant 0 : i32
    %dma_wait3A_110 = arith.constant 0 : i32
    %dma_wait3A_111 = tpu.memref_slice %arg6[%dma_wait3A, %dma_wait3A_109, %dma_wait3A_110] : memref<7x128x128xf32, #tpu.memory_space<vmem>> -> memref<1x128x128xf32, #tpu.memory_space<vmem>>
    %dma_wait3A_112 = tpu.memref_squeeze %dma_wait3A_111 : memref<1x128x128xf32, #tpu.memory_space<vmem>> -> memref<128x128xf32, #tpu.memory_space<vmem>>
    tpu.wait_dma2 semaphore(%dma_wait3A_106 : memref<!tpu.dma_semaphore, #tpu.memory_space<semaphore_mem>>) src(%dma_wait3A_112 : memref<128x128xf32, #tpu.memory_space<vmem>>) dst(%dma_wait3A_108 : memref<128x128xf32, #tpu.memory_space<hbm>>)
    %add3A_113 = arith.constant 176128 : i32
    %add3A_114 = arith.addi %add3A_113, %mul3A_2 : i32
    %dma_wait3A_115 = arith.constant 1 : i32
    %dma_wait3A_116 = arith.constant 1 : i32
    %dma_wait3A_117 = arith.constant 0 : i32
    %dma_wait3A_118 = arith.constant 0 : i32
    %dma_wait3A_119 = tpu.memref_slice %arg6[%dma_wait3A_115, %dma_wait3A_117, %dma_wait3A_118] : memref<7x128x128xf32, #tpu.memory_space<vmem>> -> memref<1x128x128xf32, #tpu.memory_space<vmem>>
    %dma_wait3A_120 = tpu.memref_squeeze %dma_wait3A_119 : memref<1x128x128xf32, #tpu.memory_space<vmem>> -> memref<128x128xf32, #tpu.memory_space<vmem>>
    %dma_wait3A_121 = arith.constant 0 : i32
    %dma_wait3A_122 = tpu.memref_slice %arg4[%add3A_114, %dma_wait3A_121] : memref<204800x128xf32, #tpu.memory_space<hbm>> -> memref<128x128xf32, #tpu.memory_space<hbm>>
    %dma_wait3A_123 = tpu.memref_slice %arg8[%dma_wait3A_116] : memref<7x!tpu.dma_semaphore, #tpu.memory_space<semaphore_mem>> -> memref<1x!tpu.dma_semaphore, #tpu.memory_space<semaphore_mem>>
    %dma_wait3A_124 = tpu.memref_squeeze %dma_wait3A_123 : memref<1x!tpu.dma_semaphore, #tpu.memory_space<semaphore_mem>> -> memref<!tpu.dma_semaphore, #tpu.memory_space<semaphore_mem>>
    %dma_wait3A_125 = arith.constant 0 : i32
    %dma_wait3A_126 = tpu.memref_slice %arg4[%add3A_114, %dma_wait3A_125] : memref<204800x128xf32, #tpu.memory_space<hbm>> -> memref<128x128xf32, #tpu.memory_space<hbm>>
    %dma_wait3A_127 = arith.constant 0 : i32
    %dma_wait3A_128 = arith.constant 0 : i32
    %dma_wait3A_129 = tpu.memref_slice %arg6[%dma_wait3A_115, %dma_wait3A_127, %dma_wait3A_128] : memref<7x128x128xf32, #tpu.memory_space<vmem>> -> memref<1x128x128xf32, #tpu.memory_space<vmem>>
    %dma_wait3A_130 = tpu.memref_squeeze %dma_wait3A_129 : memref<1x128x128xf32, #tpu.memory_space<vmem>> -> memref<128x128xf32, #tpu.memory_space<vmem>>
    tpu.wait_dma2 semaphore(%dma_wait3A_124 : memref<!tpu.dma_semaphore, #tpu.memory_space<semaphore_mem>>) src(%dma_wait3A_130 : memref<128x128xf32, #tpu.memory_space<vmem>>) dst(%dma_wait3A_126 : memref<128x128xf32, #tpu.memory_space<hbm>>)
    %add3A_131 = arith.constant 180224 : i32
    %add3A_132 = arith.addi %add3A_131, %mul3A_2 : i32
    %dma_wait3A_133 = arith.constant 2 : i32
    %dma_wait3A_134 = arith.constant 2 : i32
    %dma_wait3A_135 = arith.constant 0 : i32
    %dma_wait3A_136 = arith.constant 0 : i32
    %dma_wait3A_137 = tpu.memref_slice %arg6[%dma_wait3A_133, %dma_wait3A_135, %dma_wait3A_136] : memref<7x128x128xf32, #tpu.memory_space<vmem>> -> memref<1x128x128xf32, #tpu.memory_space<vmem>>
    %dma_wait3A_138 = tpu.memref_squeeze %dma_wait3A_137 : memref<1x128x128xf32, #tpu.memory_space<vmem>> -> memref<128x128xf32, #tpu.memory_space<vmem>>
    %dma_wait3A_139 = arith.constant 0 : i32
    %dma_wait3A_140 = tpu.memref_slice %arg4[%add3A_132, %dma_wait3A_139] : memref<204800x128xf32, #tpu.memory_space<hbm>> -> memref<128x128xf32, #tpu.memory_space<hbm>>
    %dma_wait3A_141 = tpu.memref_slice %arg8[%dma_wait3A_134] : memref<7x!tpu.dma_semaphore, #tpu.memory_space<semaphore_mem>> -> memref<1x!tpu.dma_semaphore, #tpu.memory_space<semaphore_mem>>
    %dma_wait3A_142 = tpu.memref_squeeze %dma_wait3A_141 : memref<1x!tpu.dma_semaphore, #tpu.memory_space<semaphore_mem>> -> memref<!tpu.dma_semaphore, #tpu.memory_space<semaphore_mem>>
    %dma_wait3A_143 = arith.constant 0 : i32
    %dma_wait3A_144 = tpu.memref_slice %arg4[%add3A_132, %dma_wait3A_143] : memref<204800x128xf32, #tpu.memory_space<hbm>> -> memref<128x128xf32, #tpu.memory_space<hbm>>
    %dma_wait3A_145 = arith.constant 0 : i32
    %dma_wait3A_146 = arith.constant 0 : i32
    %dma_wait3A_147 = tpu.memref_slice %arg6[%dma_wait3A_133, %dma_wait3A_145, %dma_wait3A_146] : memref<7x128x128xf32, #tpu.memory_space<vmem>> -> memref<1x128x128xf32, #tpu.memory_space<vmem>>
    %dma_wait3A_148 = tpu.memref_squeeze %dma_wait3A_147 : memref<1x128x128xf32, #tpu.memory_space<vmem>> -> memref<128x128xf32, #tpu.memory_space<vmem>>
    tpu.wait_dma2 semaphore(%dma_wait3A_142 : memref<!tpu.dma_semaphore, #tpu.memory_space<semaphore_mem>>) src(%dma_wait3A_148 : memref<128x128xf32, #tpu.memory_space<vmem>>) dst(%dma_wait3A_144 : memref<128x128xf32, #tpu.memory_space<hbm>>)
    %add3A_149 = arith.constant 184320 : i32
    %add3A_150 = arith.addi %add3A_149, %mul3A_2 : i32
    %dma_wait3A_151 = arith.constant 3 : i32
    %dma_wait3A_152 = arith.constant 3 : i32
    %dma_wait3A_153 = arith.constant 0 : i32
    %dma_wait3A_154 = arith.constant 0 : i32
    %dma_wait3A_155 = tpu.memref_slice %arg6[%dma_wait3A_151, %dma_wait3A_153, %dma_wait3A_154] : memref<7x128x128xf32, #tpu.memory_space<vmem>> -> memref<1x128x128xf32, #tpu.memory_space<vmem>>
    %dma_wait3A_156 = tpu.memref_squeeze %dma_wait3A_155 : memref<1x128x128xf32, #tpu.memory_space<vmem>> -> memref<128x128xf32, #tpu.memory_space<vmem>>
    %dma_wait3A_157 = arith.constant 0 : i32
    %dma_wait3A_158 = tpu.memref_slice %arg4[%add3A_150, %dma_wait3A_157] : memref<204800x128xf32, #tpu.memory_space<hbm>> -> memref<128x128xf32, #tpu.memory_space<hbm>>
    %dma_wait3A_159 = tpu.memref_slice %arg8[%dma_wait3A_152] : memref<7x!tpu.dma_semaphore, #tpu.memory_space<semaphore_mem>> -> memref<1x!tpu.dma_semaphore, #tpu.memory_space<semaphore_mem>>
    %dma_wait3A_160 = tpu.memref_squeeze %dma_wait3A_159 : memref<1x!tpu.dma_semaphore, #tpu.memory_space<semaphore_mem>> -> memref<!tpu.dma_semaphore, #tpu.memory_space<semaphore_mem>>
    %dma_wait3A_161 = arith.constant 0 : i32
    %dma_wait3A_162 = tpu.memref_slice %arg4[%add3A_150, %dma_wait3A_161] : memref<204800x128xf32, #tpu.memory_space<hbm>> -> memref<128x128xf32, #tpu.memory_space<hbm>>
    %dma_wait3A_163 = arith.constant 0 : i32
    %dma_wait3A_164 = arith.constant 0 : i32
    %dma_wait3A_165 = tpu.memref_slice %arg6[%dma_wait3A_151, %dma_wait3A_163, %dma_wait3A_164] : memref<7x128x128xf32, #tpu.memory_space<vmem>> -> memref<1x128x128xf32, #tpu.memory_space<vmem>>
    %dma_wait3A_166 = tpu.memref_squeeze %dma_wait3A_165 : memref<1x128x128xf32, #tpu.memory_space<vmem>> -> memref<128x128xf32, #tpu.memory_space<vmem>>
    tpu.wait_dma2 semaphore(%dma_wait3A_160 : memref<!tpu.dma_semaphore, #tpu.memory_space<semaphore_mem>>) src(%dma_wait3A_166 : memref<128x128xf32, #tpu.memory_space<vmem>>) dst(%dma_wait3A_162 : memref<128x128xf32, #tpu.memory_space<hbm>>)
    %add3A_167 = arith.constant 188416 : i32
    %add3A_168 = arith.addi %add3A_167, %mul3A_2 : i32
    %dma_wait3A_169 = arith.constant 4 : i32
    %dma_wait3A_170 = arith.constant 4 : i32
    %dma_wait3A_171 = arith.constant 0 : i32
    %dma_wait3A_172 = arith.constant 0 : i32
    %dma_wait3A_173 = tpu.memref_slice %arg6[%dma_wait3A_169, %dma_wait3A_171, %dma_wait3A_172] : memref<7x128x128xf32, #tpu.memory_space<vmem>> -> memref<1x128x128xf32, #tpu.memory_space<vmem>>
    %dma_wait3A_174 = tpu.memref_squeeze %dma_wait3A_173 : memref<1x128x128xf32, #tpu.memory_space<vmem>> -> memref<128x128xf32, #tpu.memory_space<vmem>>
    %dma_wait3A_175 = arith.constant 0 : i32
    %dma_wait3A_176 = tpu.memref_slice %arg4[%add3A_168, %dma_wait3A_175] : memref<204800x128xf32, #tpu.memory_space<hbm>> -> memref<128x128xf32, #tpu.memory_space<hbm>>
    %dma_wait3A_177 = tpu.memref_slice %arg8[%dma_wait3A_170] : memref<7x!tpu.dma_semaphore, #tpu.memory_space<semaphore_mem>> -> memref<1x!tpu.dma_semaphore, #tpu.memory_space<semaphore_mem>>
    %dma_wait3A_178 = tpu.memref_squeeze %dma_wait3A_177 : memref<1x!tpu.dma_semaphore, #tpu.memory_space<semaphore_mem>> -> memref<!tpu.dma_semaphore, #tpu.memory_space<semaphore_mem>>
    %dma_wait3A_179 = arith.constant 0 : i32
    %dma_wait3A_180 = tpu.memref_slice %arg4[%add3A_168, %dma_wait3A_179] : memref<204800x128xf32, #tpu.memory_space<hbm>> -> memref<128x128xf32, #tpu.memory_space<hbm>>
    %dma_wait3A_181 = arith.constant 0 : i32
    %dma_wait3A_182 = arith.constant 0 : i32
    %dma_wait3A_183 = tpu.memref_slice %arg6[%dma_wait3A_169, %dma_wait3A_181, %dma_wait3A_182] : memref<7x128x128xf32, #tpu.memory_space<vmem>> -> memref<1x128x128xf32, #tpu.memory_space<vmem>>
    %dma_wait3A_184 = tpu.memref_squeeze %dma_wait3A_183 : memref<1x128x128xf32, #tpu.memory_space<vmem>> -> memref<128x128xf32, #tpu.memory_space<vmem>>
    tpu.wait_dma2 semaphore(%dma_wait3A_178 : memref<!tpu.dma_semaphore, #tpu.memory_space<semaphore_mem>>) src(%dma_wait3A_184 : memref<128x128xf32, #tpu.memory_space<vmem>>) dst(%dma_wait3A_180 : memref<128x128xf32, #tpu.memory_space<hbm>>)
    %add3A_185 = arith.constant 192512 : i32
    %add3A_186 = arith.addi %add3A_185, %mul3A_2 : i32
    %dma_wait3A_187 = arith.constant 5 : i32
    %dma_wait3A_188 = arith.constant 5 : i32
    %dma_wait3A_189 = arith.constant 0 : i32
    %dma_wait3A_190 = arith.constant 0 : i32
    %dma_wait3A_191 = tpu.memref_slice %arg6[%dma_wait3A_187, %dma_wait3A_189, %dma_wait3A_190] : memref<7x128x128xf32, #tpu.memory_space<vmem>> -> memref<1x128x128xf32, #tpu.memory_space<vmem>>
    %dma_wait3A_192 = tpu.memref_squeeze %dma_wait3A_191 : memref<1x128x128xf32, #tpu.memory_space<vmem>> -> memref<128x128xf32, #tpu.memory_space<vmem>>
    %dma_wait3A_193 = arith.constant 0 : i32
    %dma_wait3A_194 = tpu.memref_slice %arg4[%add3A_186, %dma_wait3A_193] : memref<204800x128xf32, #tpu.memory_space<hbm>> -> memref<128x128xf32, #tpu.memory_space<hbm>>
    %dma_wait3A_195 = tpu.memref_slice %arg8[%dma_wait3A_188] : memref<7x!tpu.dma_semaphore, #tpu.memory_space<semaphore_mem>> -> memref<1x!tpu.dma_semaphore, #tpu.memory_space<semaphore_mem>>
    %dma_wait3A_196 = tpu.memref_squeeze %dma_wait3A_195 : memref<1x!tpu.dma_semaphore, #tpu.memory_space<semaphore_mem>> -> memref<!tpu.dma_semaphore, #tpu.memory_space<semaphore_mem>>
    %dma_wait3A_197 = arith.constant 0 : i32
    %dma_wait3A_198 = tpu.memref_slice %arg4[%add3A_186, %dma_wait3A_197] : memref<204800x128xf32, #tpu.memory_space<hbm>> -> memref<128x128xf32, #tpu.memory_space<hbm>>
    %dma_wait3A_199 = arith.constant 0 : i32
    %dma_wait3A_200 = arith.constant 0 : i32
    %dma_wait3A_201 = tpu.memref_slice %arg6[%dma_wait3A_187, %dma_wait3A_199, %dma_wait3A_200] : memref<7x128x128xf32, #tpu.memory_space<vmem>> -> memref<1x128x128xf32, #tpu.memory_space<vmem>>
    %dma_wait3A_202 = tpu.memref_squeeze %dma_wait3A_201 : memref<1x128x128xf32, #tpu.memory_space<vmem>> -> memref<128x128xf32, #tpu.memory_space<vmem>>
    tpu.wait_dma2 semaphore(%dma_wait3A_196 : memref<!tpu.dma_semaphore, #tpu.memory_space<semaphore_mem>>) src(%dma_wait3A_202 : memref<128x128xf32, #tpu.memory_space<vmem>>) dst(%dma_wait3A_198 : memref<128x128xf32, #tpu.memory_space<hbm>>)
    %add3A_203 = arith.constant 196608 : i32
    %add3A_204 = arith.addi %add3A_203, %mul3A_2 : i32
    %dma_wait3A_205 = arith.constant 6 : i32
    %dma_wait3A_206 = arith.constant 6 : i32
    %dma_wait3A_207 = arith.constant 0 : i32
    %dma_wait3A_208 = arith.constant 0 : i32
    %dma_wait3A_209 = tpu.memref_slice %arg6[%dma_wait3A_205, %dma_wait3A_207, %dma_wait3A_208] : memref<7x128x128xf32, #tpu.memory_space<vmem>> -> memref<1x128x128xf32, #tpu.memory_space<vmem>>
    %dma_wait3A_210 = tpu.memref_squeeze %dma_wait3A_209 : memref<1x128x128xf32, #tpu.memory_space<vmem>> -> memref<128x128xf32, #tpu.memory_space<vmem>>
    %dma_wait3A_211 = arith.constant 0 : i32
    %dma_wait3A_212 = tpu.memref_slice %arg4[%add3A_204, %dma_wait3A_211] : memref<204800x128xf32, #tpu.memory_space<hbm>> -> memref<128x128xf32, #tpu.memory_space<hbm>>
    %dma_wait3A_213 = tpu.memref_slice %arg8[%dma_wait3A_206] : memref<7x!tpu.dma_semaphore, #tpu.memory_space<semaphore_mem>> -> memref<1x!tpu.dma_semaphore, #tpu.memory_space<semaphore_mem>>
    %dma_wait3A_214 = tpu.memref_squeeze %dma_wait3A_213 : memref<1x!tpu.dma_semaphore, #tpu.memory_space<semaphore_mem>> -> memref<!tpu.dma_semaphore, #tpu.memory_space<semaphore_mem>>
    %dma_wait3A_215 = arith.constant 0 : i32
    %dma_wait3A_216 = tpu.memref_slice %arg4[%add3A_204, %dma_wait3A_215] : memref<204800x128xf32, #tpu.memory_space<hbm>> -> memref<128x128xf32, #tpu.memory_space<hbm>>
    %dma_wait3A_217 = arith.constant 0 : i32
    %dma_wait3A_218 = arith.constant 0 : i32
    %dma_wait3A_219 = tpu.memref_slice %arg6[%dma_wait3A_205, %dma_wait3A_217, %dma_wait3A_218] : memref<7x128x128xf32, #tpu.memory_space<vmem>> -> memref<1x128x128xf32, #tpu.memory_space<vmem>>
    %dma_wait3A_220 = tpu.memref_squeeze %dma_wait3A_219 : memref<1x128x128xf32, #tpu.memory_space<vmem>> -> memref<128x128xf32, #tpu.memory_space<vmem>>
    tpu.wait_dma2 semaphore(%dma_wait3A_214 : memref<!tpu.dma_semaphore, #tpu.memory_space<semaphore_mem>>) src(%dma_wait3A_220 : memref<128x128xf32, #tpu.memory_space<vmem>>) dst(%dma_wait3A_216 : memref<128x128xf32, #tpu.memory_space<hbm>>)
    return
  }
}

</mosaic_0001>

<sc_bundles>
// kernel: _embed_lookup.3.cloned.1.call-start
scs
__scs_entry_jumppad:
0x0: {  	(pc) =	sbr.rel $0x88, $3  }
0x1: {  	(tag) =	ssettag $0x0;
	lr =	simm.s32 $0x1  }
0x2: {  	[smem:$0x3F9F] =	sst lr;
	_ =	strace $0xD0000000  }
0x3: {  	_ = 	snop  }
0x4: {  	_ = 	snop  }
0x5: {  	_ = 	snop  }
0x6: {  	_ = 	snop  }
0x7: {  	_ = 	snop  }
__scs_overlays_trampoline_lowered:
0x8: {  	[smem:$0x3FAE] =	sst s0  }
0x9: {  	[smem:$0x3FAF] =	sst s1  }
0xa: {  	[smem:$0x3FB0] =	sst s2  }
0xb: {  	[smem:$0x3FB1] =	sst s3  }
0xc: {  	[smem:$0x3FB2] =	sst s4  }
0xd: {  	[smem:$0x3FB3] =	sst s5  }
0xe: {  	[smem:$0x3FB4] =	sst s6  }
0xf: {  	[smem:$0x3FB5] =	sst s7  }
0x10: {  	[smem:$0x3FB6] =	sst s8  }
0x11: {  	[smem:$0x3FB7] =	sst s9;
	s0 =	simm.s32 @!p0 $0x0  }
0x12: {  	s1 =	sld [smem:$0x3F9D];
	s0 =	simm.s32 @p0 $0x1  }
0x13: {  	[smem:$0x3FB8] =	sst s0;
	s0 =	simm.s32 @!p1 $0x0  }
0x14: {  	s2 =	sld [smem:$0x3F9C];
	s0 =	simm.s32 @p1 $0x1  }
0x15: {  	[smem:$0x3FB9] =	sst s0;
	s0 =	simm.s32 @!p2 $0x0  }
0x16: {  	s3 =	sld [smem:$0x3FDB];
	s0 =	simm.s32 @p2 $0x1  }
0x17: {  	s4 =	simm.s32 $0x1BF5;
	[smem:$0x3FBB] =	sst s0  }
0x18: {  	s0 =	sld [smem:$0x3F9E];
	_ =	swait.ge [sflag:s4], $0x0  }
0x19: {  	s7 =	sld [smem:$0x3F9F]  }
0x1a: {  	s8 =	sadd.s32 $0xFFFFE003, lr  }
0x1b: {  	s9 =	sadd.s32 $0xFFFFFEF7, lr;
	s5 =	simm.s32 $0xFFFFFFFF;
	p2 =	slt.u32 s8, $0xFFFFF086  }
0x1c: {  	p1 =	slt.u32 s9, $0xF7A;
	s5 =	simm.s32 @!p2 $0x0  }
0x1d: {  	s5 =	simm.s32 @p1 $0x1;
	p0 =	seq.s32 s7, s2  }
0x1e: {  	s7 =	smul.u32 @!p0 $0xF7A, s2;
	p2 =	seq.s32 @!p0 s5, $0x0  }
0x1f: {  	s9 =	smul.u32 $0xF7A, s1;
	s8 =	simm.s32 @!p0 $0x1BF5;
	p2 =	por !p2, p0  }
0x20: {  	[sflag:s8] =	ssyncset.s32 @!p0 $0xFFFFF086;
	s6 =	sadd.s32 @!p0 s3, s7;
	s7 =	simm.s32 @!p0 $0x108  }
0x21: {  	s3 =	sadd.s32 s3, s9;
	s6 =	sadd.s32 @!p0 $0x88, s6;
	s7 =	simm.s32 @p2 $0x1082  }
0x22: {  	[simem:s7], [sflag:s8] =	dma.local @!p0 [hbm:s6], $0xF7A  }
0x23: {  	s9 =	sor.u32 $0xD0000000, s2;
	s6 =	simm.s32 $0x108;
	_ =	swait.ge @!p0 [sflag:s8], $0x0  }
0x24: {  	s3 =	sadd.s32 $0x88, s3;
	s6 =	simm.s32 @!p1 $0x1082;
	[sflag:s4] =	ssyncset.s32 $0xFFFFF086  }
0x25: {  	[simem:s6], [sflag:s4] =	dma.local [hbm:s3], $0xF7A  }
0x26: {  	[smem:$0x3F9F] =	sst s1;
	(tag) =	ssettag s2;
	_ =	strace s9  }
0x27: {  	s1 =	sld [smem:$0x3FAF]  }
0x28: {  	s2 =	sld [smem:$0x3FB0]  }
0x29: {  	s4 =	sld [smem:$0x3FB2]  }
0x2a: {  	p0 =	seq.s32 s5, $0x0;
	s5 =	sld [smem:$0x3FB3]  }
0x2b: {  	s6 =	sld [smem:$0x3FB4]  }
0x2c: {  	s7 =	sld [smem:$0x3FB5]  }
0x2d: {  	s3 =	simm.s32 $0x108;
	s8 =	sld [smem:$0x3FB6]  }
0x2e: {  	s3 =	simm.s32 @!p0 $0x1082;
	s9 =	sld [smem:$0x3FB7]  }
0x2f: {  	lr =	sadd.s32 s0, s3;
	s0 =	sld [smem:$0x3FAE]  }
0x30: {  	s3 =	sld [smem:$0x3FB1]  }
0x31: {  	[smem:$0x3FBA] =	sst s10  }
0x32: {  	s10 =	sld [smem:$0x3FB8];
	_ =	sdelay $0x3  }
0x33: {  	p0 =	seq.s32 s10, $0x1;
	s10 =	sld [smem:$0x3FBA];
	_ =	sdelay $0x3  }
0x34: {  	[smem:$0x3FBA] =	sst s10  }
0x35: {  	s10 =	sld [smem:$0x3FB9];
	_ =	sdelay $0x3  }
0x36: {  	p1 =	seq.s32 s10, $0x1;
	s10 =	sld [smem:$0x3FBA];
	_ =	sdelay $0x3  }
0x37: {  	[smem:$0x3FBA] =	sst s10  }
0x38: {  	s10 =	sld [smem:$0x3FBB]  }
0x39: {  	_ = 	snop;
	(pc) =	sbr.ind lr, $3  }
0x3a: {  	_ = 	snop  }
0x3b: {  	_ = 	snop  }
0x3c: {  	p2 =	seq.s32 s10, $0x1;
	s10 =	sld [smem:$0x3FBA]  }
0x3d: {  	_ =	shalt  }
0x3e: {  	_ =	shalt  }
0x3f: {  	_ =	shalt  }
0x40: {  	_ =	shalt  }
0x41: {  	_ =	shalt  }
0x42: {  	_ =	shalt  }
0x43: {  	_ =	shalt  }
0x44: {  	_ =	shalt  }
0x45: {  	_ =	shalt  }
0x46: {  	_ =	shalt  }
0x47: {  	_ =	shalt  }
0x48: {  	_ =	shalt  }
0x49: {  	_ =	shalt  }
0x4a: {  	_ =	shalt  }
0x4b: {  	_ =	shalt  }
0x4c: {  	_ =	shalt  }
0x4d: {  	_ =	shalt  }
0x4e: {  	_ =	shalt  }
0x4f: {  	_ =	shalt  }
0x50: {  	_ =	shalt  }
0x51: {  	_ =	shalt  }
0x52: {  	_ =	shalt  }
0x53: {  	_ =	shalt  }
0x54: {  	_ =	shalt  }
0x55: {  	_ =	shalt  }
0x56: {  	_ =	shalt  }
0x57: {  	_ =	shalt  }
0x58: {  	_ =	shalt  }
0x59: {  	_ =	shalt  }
0x5a: {  	_ =	shalt  }
0x5b: {  	_ =	shalt  }
0x5c: {  	_ =	shalt  }
0x5d: {  	_ =	shalt  }
0x5e: {  	_ =	shalt  }
0x5f: {  	_ =	shalt  }
0x60: {  	_ =	shalt  }
0x61: {  	_ =	shalt  }
0x62: {  	_ =	shalt  }
0x63: {  	_ =	shalt  }
0x64: {  	_ =	shalt  }
0x65: {  	_ =	shalt  }
0x66: {  	_ =	shalt  }
0x67: {  	_ =	shalt  }
0x68: {  	_ =	shalt  }
0x69: {  	_ =	shalt  }
0x6a: {  	_ =	shalt  }
0x6b: {  	_ =	shalt  }
0x6c: {  	_ =	shalt  }
0x6d: {  	_ =	shalt  }
0x6e: {  	_ =	shalt  }
0x6f: {  	_ =	shalt  }
0x70: {  	_ =	shalt  }
0x71: {  	_ =	shalt  }
0x72: {  	_ =	shalt  }
0x73: {  	_ =	shalt  }
0x74: {  	_ =	shalt  }
0x75: {  	_ =	shalt  }
0x76: {  	_ =	shalt  }
0x77: {  	_ =	shalt  }
0x78: {  	_ =	shalt  }
0x79: {  	_ =	shalt  }
0x7a: {  	_ =	shalt  }
0x7b: {  	_ =	shalt  }
0x7c: {  	_ =	shalt  }
0x7d: {  	_ =	shalt  }
0x7e: {  	_ =	shalt  }
0x7f: {  	_ =	shalt  }
0x80: {  	_ =	shalt  }
0x81: {  	_ =	shalt  }
0x82: {  	_ =	shalt  }
0x83: {  	_ =	shalt  }
0x84: {  	_ =	shalt  }
0x85: {  	_ =	shalt  }
0x86: {  	_ =	shalt  }
0x87: {  	_ =	shalt  }
.Lfunc_end0:
.L_simem_size_0:
called_computation_lowered:
.L_overlay_start_0:
0x88: {  	s2 =	sld [smem:$0x3FD9]  }
0x89: {  	s3 =	sld [smem:$0x3FFE];
	_ =	sdelay $0x1  }
0x8a: {  	s1 =	srdreg.scid  }
0x8b: {  	s0 =	sand.u32 $0x1, s1  }
0x8c: {  	s18 =	sshll.u32 s0, $0xA;
	s2 =	sadd.s32 s3, s2  }
0x8d: {  	s2 =	sadd.s32 s2, s18  }
0x8e: {  	[smem:$0x3FC6] =	sst s2  }
0x8f: {  	_ = 	snop  }
0x90: {  	s2 =	sld [smem:$0x3FC9]  }
0x91: {  	s19 =	sld [smem:$0x3FC8]  }
0x92: {  	s4 =	sld [smem:$0x3FD0];
	(tm) =	ssettm $0x1  }
0x93: {  	s5 =	sld [smem:$0x3FFB];
	_ =	sdelay $0x3  }
0x94: {  	_ =	strace s5  }
0x95: {  	s5 =	sld [smem:$0x3FFC];
	_ =	sdelay $0x3  }
0x96: {  	_ =	strace s5  }
0x97: {  	s5 =	sld [smem:$0x3FFD];
	_ =	sdelay $0x3  }
0x98: {  	_ =	strace s5  }
0x99: {  	_ =	strace $0x8FFFFFFF  }
0x9a: {  	s20 =	sld [smem:$0x3FDB];
	_ =	sdelay $0x1  }
0x9b: {  	s6 =	simm.s32 $_scs_section_size  }
0x9c: {  	s7 =	simm.s32 $_size__tile_overlayer_lowered;
	s8 =	simm.s32 $_tile_overlayer_lowered  }
0x9d: {  	s23 =	simm.s32 $0x1BFF;
	s22 =	sshll.u32 s8, $0x1;
	s5 =	sadd.s32 s6, s20  }
0x9e: {  	s9 =	simm.s32 $0x0;
	s21 =	sshll.u32 s7, $0x1;
	s7 =	sadd.s32 s22, s5  }
0x9f: {  	[timem:s9], [sflag:s23] =	dma.local [hbm:s7], s21  }
0xa0: {  	_ =	swait.ge [sflag:s23], s21  }
0xa1: {  	s6 =	ssub.s32 $0x0, s21;
	[sflag:s23] =	ssyncset.done $0x0  }
0xa2: {  	[sflag:s23] =	ssyncadd.s32 s6;
	_ =	sdelay $0x1  }
0xa3: {  	s24 =	simm.s32 $0x1B8B  }
0xa4: {  	_ =	swait.ge [sflag:s24], $0x1  }
0xa5: {  	[sflag:s24] =	ssyncset.done $0x0  }
0xa6: {  	s25 =	simm.s32 $0x1B8E;
	[sflag:s24] =	ssyncadd.s32 $0xFFFFFFFF  }
0xa7: {  	s26 =	simm.s32 $execute0_lowered;
	[smem:$0x3FD2] =	sst s25  }
0xa8: {  	s6 =	sshll.u32 s26, $0x1;
	_ =	strace $0x80000046;
	[dreg:$0x1] =	wrdreg $0xFFFFFFFF  }
0xa9: {  	s28 =	simm.s32 $_size_execute0_lowered;
	s5 =	sadd.s32 s5, s6;
	[dreg:$0x0] =	wrdreg $0x0  }
0xaa: {  	s6 =	sshll.u32 s28, $0x1;
	[dreg:$0x2] =	wrdreg s5  }
0xab: {  	[dreg:$0x3] =	wrdreg s6  }
0xac: {  	[dreg:$0x4] =	wrdreg $0xC0  }
0xad: {  	_ =	task [dreg:s9], $0x5FFFF  }
0xae: {  	[dreg:$0x1] =	wrdreg $0xFFFFFFFF  }
0xaf: {  	[dreg:$0x0] =	wrdreg $0x60  }
0xb0: {  	[dreg:$0x2] =	wrdreg s2  }
0xb1: {  	[dreg:$0x3] =	wrdreg s19  }
0xb2: {  	[dreg:$0x4] =	wrdreg s4  }
0xb3: {  	[dreg:$0x5] =	wrdreg $0x9  }
0xb4: {  	_ =	task.clear_ibuf [dreg:s9], $0x6FFFF;
	_ =	strace $0x90000046  }
0xb5: {  	s29 =	simm.s32 $0x9;
	_ =	strace $0x80000048  }
0xb6: {  	_ =	swait.ge [sflag:s29], $0x1  }
0xb7: {  	[sflag:s29] =	ssyncadd.s32 $0xFFFFFFFF  }
0xb8: {  	_ =	strace $0x90000048  }
0xb9: {  	_ =	sfence  }
0xba: {  	s30 =	sld [smem:$0x0];
	_ =	sdelay $0x2  }
0xbb: {  	s31 =	sshll.u32 s1, $0xD;
	s1 =	sshrl.u32 s1, $0x2  }
0xbc: {  	s3 =	sand.u32 $0x4000, s31;
	s1 =	sadd.s32 s1, s30  }
0xbd: {  	s0 =	sor.u32 s3, s0;
	s1 =	sshll.u32 s1, $0x11  }
0xbe: {  	s0 =	sor.u32 s1, s0  }
0xbf: {  	s0 =	sadd.s32 $0x8F2B, s0  }
0xc0: {  	[sflag:s0] =	ssyncadd.remote.s32 $0x1  }
0xc1: {  	_ =	sfence.sel $0xFFFF  }
0xc2: {  	[dreg:$0x0] =	wrdreg $0xFFFFFFFF;
	(pc) =	sbr.abs _section_cstart, $3  }
0xc3: {  	[dreg:$0x1] =	wrdreg $0xFFFFFFFF  }
0xc4: {  	_ =	task.clear_ibuf [dreg:s9], $0x2FFFF;
	_ =	strace $0x9FFFFFFF  }
0xc5: {  	(tm) =	ssettm $0x7FFFFFFF  }
tec
execute0_lowered:
.L_overlay_start_1:
0x0: {  	(tag) =	ssettag $0x1  }
0x1: {  	s0 =	rddreg [dreg:$0x0]  }
0x2: {  	s2 =	rddreg [dreg:$0x1]  }
0x3: {  	s1 =	rddreg [dreg:$0x2]  }
0x4: {  	s3 =	srdreg.scid;
	s8 =	stileid.u32  }
0x5: {  	s11 =	simm.s32 $0xF;
	s12 =	simm.s32 $0x80;
	s15 =	simm.s32 $0x100  }
0x6: {  	s16 =	simm.s32 $0x9C00;
	s17 =	simm.s32 $0x180;
	s18 =	simm.s32 $0xDC00  }
0x7: {  	s19 =	simm.s32 $0x200;
	s20 =	simm.s32 $0x11C00;
	s21 =	simm.s32 $0x280  }
0x8: {  	s22 =	simm.s32 $0x15C00;
	s28 =	simm.s32 $0xC;
	s29 =	simm.s32 $0xD  }
0x9: {  	s30 =	simm.s32 $0xE;
	s31 =	simm.s32 $0x0;
	s7 =	sand.u32 $0x1, s3  }
0xa: {  	s3 =	simm.s32 $0x0;
	s4 =	sshll.u32 s8, $0x8;
	s8 =	sshll.u32 s8, $0xC  }
0xb: {  	s5 =	sshll.u32 s7, $0x7;
	[smem:$0x7FF] =	sst s3;
	s6 =	ssub.s32 $0x2, s7  }
.Ltmp0:
0xc: {  	s25 =	sadd.s32 s8, s1;
	s26 =	sshll.u32 s7, $0xB;
	(pc) =	sbr.rel .LBB2_1-.Ltmp0, $4  }
0xd: {  	s4 =	sor.u32 s5, s4;
	_ =	strace $0x80000047;
	s23 =	sshrl.u32 s6, $0x1  }
0xe: {  	s1 =	sadd.s32 s26, s25;
	s25 =	simm.s32 $0xA;
	s26 =	simm.s32 $0xB  }
0xf: {  	s4 =	sadd.s32 s0, s4;
	s24 =	ssub.s32 s6, s23;
	s23 =	simm.s32 $0x8  }
0x10: {  	s5 =	sadd.s32 $0x6000, s4;
	s6 =	smax.u32 s24, $0x1;
	s24 =	simm.s32 $0x9  }
.LBB2_7:
0x11: {  	_ =	swait.ge [sflag:s23], $0x4000  }
0x12: {  	[sflag:s23] =	ssyncset.done $0x0  }
0x13: {  	[sflag:s23] =	ssyncadd.s32 $0xFFFFC000  }
0x14: {  	_ =	swait.ge [sflag:s24], $0x4000  }
0x15: {  	[sflag:s24] =	ssyncset.done $0x0  }
0x16: {  	[sflag:s24] =	ssyncadd.s32 $0xFFFFC000  }
0x17: {  	_ =	swait.ge [sflag:s25], $0x4000  }
0x18: {  	[sflag:s25] =	ssyncset.done $0x0  }
0x19: {  	[sflag:s25] =	ssyncadd.s32 $0xFFFFC000  }
0x1a: {  	_ =	swait.ge [sflag:s26], $0x4000  }
0x1b: {  	[sflag:s26] =	ssyncset.done $0x0  }
0x1c: {  	[sflag:s26] =	ssyncadd.s32 $0xFFFFC000  }
0x1d: {  	_ =	swait.ge [sflag:s28], $0x4000  }
0x1e: {  	[sflag:s28] =	ssyncset.done $0x0  }
0x1f: {  	s31 =	sadd.s32 $0x1, s31;
	[sflag:s28] =	ssyncadd.s32 $0xFFFFC000  }
0x20: {  	p0 =	sne.s32 s31, s6;
	_ =	swait.ge [sflag:s29], $0x4000  }
.Ltmp1:
0x21: {  	[sflag:s29] =	ssyncset.done $0x0;
	(pc) =	sbr.rel @!p0 .LBB2_8-.Ltmp1, $4  }
0x22: {  	[sflag:s29] =	ssyncadd.s32 $0xFFFFC000  }
0x23: {  	_ =	swait.ge [sflag:s30], $0x4000  }
0x24: {  	[sflag:s30] =	ssyncset.done $0x0  }
0x25: {  	[sflag:s30] =	ssyncadd.s32 $0xFFFFC000  }
.LBB2_1:
0x26: {  	s0 =	simm.s32 $0x400;
	s7 =	simm.s32 $0x8000  }
0x27: {  	[tilespmem:s3], [sflag:$0xF] =	stream.strided.gather [hbm4b:s4+s0], $0x1800, s7, s0, $0x38;
	[tilespmem:$0x1DC00] =	vst v63  }
0x28: {  	s10 =	simm.s32 $0x1800  }
0x29: {  	[tilespmem:s10], [sflag:$0xF] =	stream.linear.gather [hbm4b:s5+s3], $0x100, $0x38;
	[tilespmem:$0x1DC00] =	vst v63  }
0x2a: {  	_ =	swait.ge [sflag:s11], $0x1900  }
0x2b: {  	[sflag:s11] =	ssyncset.done $0x0  }
0x2c: {  	s13 =	simm.s32 $0x1C00;
	[sflag:s11] =	ssyncadd.s32 $0xFFFFE700  }
0x2d: {  	[tilespmem:s13], [sflag:$0x1] =	stream.indirect.gather [hbm4b:s2+s12], $0x80, s3, s12, $0xb8;
	[tilespmem:$0x1DC00] =	vst v63  }
0x2e: {  	s14 =	simm.s32 $0x5C00  }
0x2f: {  	[tilespmem:s14], [sflag:$0x2] =	stream.indirect.gather [hbm4b:s2+s12], $0x80, s12, s12, $0xb8;
	[tilespmem:$0x1DC00] =	vst v63  }
0x30: {  	_ = 	snop  }
0x31: {  	[tilespmem:s16], [sflag:$0x3] =	stream.indirect.gather [hbm4b:s2+s12], $0x80, s15, s12, $0xb8;
	[tilespmem:$0x1DC00] =	vst v63  }
0x32: {  	_ = 	snop  }
0x33: {  	[tilespmem:s18], [sflag:$0x4] =	stream.indirect.gather [hbm4b:s2+s12], $0x80, s17, s12, $0xb8;
	[tilespmem:$0x1DC00] =	vst v63  }
.Ltmp2:
0x34: {  	_ = 	snop;
	(pc) =	sbr.rel .LBB2_2-.Ltmp2, $4  }
0x35: {  	_ = 	snop  }
0x36: {  	[tilespmem:s20], [sflag:$0x5] =	stream.indirect.gather [hbm4b:s2+s12], $0x80, s19, s12, $0xb8;
	[tilespmem:$0x1DC00] =	vst v63  }
0x37: {  	s8 =	simm.s32 $0xFFFFFFFF;
	s0 =	simm.s32 $0x300;
	s7 =	smov.u32 s1  }
0x38: {  	[tilespmem:s22], [sflag:$0x6] =	stream.indirect.gather [hbm4b:s2+s12], $0x80, s21, s12, $0xb8;
	[tilespmem:$0x1DC00] =	vst v63  }
.LBB2_3:
0x39: {  	s13 =	sadd.s32 $0x8, s10  }
0x3a: {  	_ =	swait.ge [sflag:s13], $0x4000  }
0x3b: {  	[sflag:s13] =	ssyncset.done $0x0  }
0x3c: {  	[sflag:s13] =	ssyncadd.s32 $0xFFFFC000  }
.LBB2_5:
0x3d: {  	s13 =	sshll.u32 s10, $0xE  }
0x3e: {  	s14 =	sadd.s32 $0x1, s10;
	s13 =	sor.u32 $0x1C00, s13  }
0x3f: {  	[tilespmem:s13], [sflag:s14] =	stream.indirect.gather [hbm4b:s2+s12], $0x80, s0, s12, $0xb8;
	[tilespmem:$0x1DC00] =	vst v63  }
.LBB2_6:
0x40: {  	s9 =	sadd.s32 $0x25, s9  }
0x41: {  	s9 =	sshrl.u32 s9, $0x8  }
0x42: {  	s10 =	ssub.s32 s8, s9  }
0x43: {  	s10 =	sand.u32 $0xFE, s10  }
0x44: {  	s10 =	sshrl.u32 s10, $0x1  }
0x45: {  	s9 =	sadd.s32 s9, s10  }
0x46: {  	s9 =	sand.u32 $0xFC, s9  }
0x47: {  	s9 =	sshrl.u32 s9, $0x2  }
0x48: {  	s9 =	smul.u32 $0x7, s9;
	_ =	sdelay $0x1  }
0x49: {  	s9 =	ssub.s32 s8, s9  }
0x4a: {  	s9 =	sand.u32 $0xFF, s9  }
0x4b: {  	p0 =	sne.s32 s8, $0x31;
	s14 =	sadd.s32 $0x1, s9  }
.Ltmp3:
0x4c: {  	_ =	swait.ge [sflag:s14], $0x4000;
	(pc) =	sbr.rel @!p0 .LBB2_7-.Ltmp3, $4  }
0x4d: {  	s13 =	sshll.u32 s9, $0xE;
	[sflag:s14] =	ssyncset.done $0x0  }
0x4e: {  	s9 =	sadd.s32 $0x8, s9;
	[sflag:s14] =	ssyncadd.s32 $0xFFFFC000;
	s14 =	sor.u32 $0x1C00, s13  }
0x4f: {  	[hbm4b:s7+s3] =	stream.linear.scatter [tilespmem:s14], [sflag:s9], $0x4000, $0x38;
	[tilespmem:$0x1DC00] =	vst v63  }
0x50: {  	s0 =	sadd.s32 $0x80, s0;
	s7 =	sadd.s32 $0x10000, s7  }
.LBB2_2:
0x51: {  	s9 =	smul.u32 $0x25, s8;
	_ =	sdelay $0x1  }
0x52: {  	s10 =	sadd.s32 $0x103, s9  }
0x53: {  	s13 =	sadd.s32 $0x7, s8;
	s10 =	sshrl.u32 s10, $0x8  }
0x54: {  	s14 =	ssub.s32 s13, s10  }
0x55: {  	s14 =	sand.u32 $0xFE, s14  }
0x56: {  	s14 =	sshrl.u32 s14, $0x1  }
0x57: {  	s10 =	sadd.s32 s10, s14  }
0x58: {  	p0 =	sgt.u32 s8, $0x2A;
	s10 =	sand.u32 $0xFC, s10  }
.Ltmp4:
0x59: {  	s10 =	sshrl.u32 s10, $0x2;
	(pc) =	sbr.rel @!p0 .LBB2_3-.Ltmp4, $3  }
0x5a: {  	s10 =	smul.u32 $0x7, s10;
	_ =	sdelay $0x1  }
0x5b: {  	s10 =	ssub.s32 s13, s10  }
0x5c: {  	s8 =	sadd.s32 $0x1, s8;
	s10 =	sand.u32 $0xFF, s10  }
0x5d: {  	p0 =	sgt.u32 s8, $0x2B  }
.Ltmp5:
0x5e: {  	_ = 	snop;
	(pc) =	sbr.rel @p0 .LBB2_6-.Ltmp5, $4  }
.Ltmp6:
0x5f: {  	_ = 	snop;
	(pc) =	sbr.rel @!p0 .LBB2_5-.Ltmp6, $4  }
0x60: {  	_ = 	snop  }
0x61: {  	_ = 	snop  }
0x62: {  	_ = 	snop  }
0x63: {  	_ = 	snop  }
.LBB2_8:
0x64: {  	_ =	sfence.sel $0x180000  }
0x65: {  	[bflag:$0x0] =	sbarrier.arrive $0xFFFF  }
0x66: {  	_ =	strace $0x90000047  }
0x67: {  	s0 =	stileid.u32;
	[bflag:$0x2] =	sbarrier.arrive $0xFFFF  }
0x68: {  	p0 =	sne.s32 s0, $0x0;
	s0 =	rddreg [dreg:$0x3]  }
0x69: {  	s0 =	sadd.s32 @!p0 $0x100000, s0  }
0x6a: {  	[sflag:s0] =	ssyncadd.tile.s32 @!p0 $0x1;
	_ =	shalt  }
.Lfunc_end2:
_tile_overlayer_lowered:
.L_overlay_start_2:
0x6b: {  	(tag) =	ssettag $0x2  }
0x6c: {  	s0 =	rddreg [dreg:$0x0];
	s2 =	stileid.u32  }
0x6d: {  	s1 =	rddreg [dreg:$0x1];
	p0 =	sne.s32 s2, $0x0  }
0x6e: {  	s3 =	rddreg [dreg:$0x2];
	[bflag:$0x3] =	sbarrier.arrive $0xFFFF;
	s2 =	simm.s32 @!p0 $0x1C0F  }
0x6f: {  	[timem:s3], [sflag:s2] =	dma.local @!p0 [hbm:s0], s1  }
0x70: {  	s0 =	simm.s32 @!p0 $0xF  }
0x71: {  	_ =	swait.ge @!p0 [sflag:s0], s1  }
0x72: {  	s1 =	ssub.s32 @!p0 $0x0, s1;
	[sflag:s0] =	ssyncset.done @!p0 $0x0  }
0x73: {  	[sflag:s0] =	ssyncadd.s32 @!p0 s1  }
0x74: {  	[bflag:$0x3] =	sbarrier.arrive $0xFFFF  }
0x75: {  	_ =	shalt  }

</sc_bundles>
